<compile_context>
chip_gen: v7x
topology: tpu7x:2x2x1
jax: 0.10.2.dev20260603
libtpu: 0.0.44.dev20260713+nightly
codegen_flags: <defaults>
</compile_context>

<pallas_src>
import jax
import jax.numpy as jnp
from jax.experimental import pallas as pl

_STRIDES = (8, 16, 32)
_SIZES = (100, 50, 25)
_PRE_NMS = 1000
_POST_NMS = 100
_IOU_TH = 0.6
_K_TOTAL = 2625
_K_PAD = 2688


def _score_kernel(cls_ref, ctr_ref, out_ref):
    out_ref[...] = jax.nn.sigmoid(cls_ref[...]) * jax.nn.sigmoid(ctr_ref[...])


def _scores(cls2d, ctr2d):
    n, hw = cls2d.shape
    return pl.pallas_call(
        _score_kernel,
        out_shape=jax.ShapeDtypeStruct((n, hw), jnp.float32),
    )(cls2d, ctr2d)


def _nms_kernel(reg_ref, lx_ref, ly_ref, st_ref, keep_ref, box_ref):
    reg = reg_ref[...]
    lx = lx_ref[:, 0, :]
    ly = ly_ref[:, 0, :]
    st = st_ref[:, 0, :]
    n = reg.shape[0]

    e = jnp.exp(reg) * st[:, None, :]
    x0 = lx - e[:, 0, :]
    y0 = ly - e[:, 1, :]
    x1 = lx + e[:, 2, :]
    y1 = ly + e[:, 3, :]
    area = jnp.maximum(x1 - x0, 0.0) * jnp.maximum(y1 - y0, 0.0)

    idx = jax.lax.broadcasted_iota(jnp.int32, (n, _K_PAD), 1)
    keep0 = (idx < _K_TOTAL).astype(jnp.float32)

    def cond(c):
        i, cnt, _ = c
        return jnp.logical_and(i < _K_TOTAL, jnp.min(cnt) < _POST_NMS)

    def body(c):
        i, cnt, keep = c
        m = idx == i
        keep_i = jnp.sum(jnp.where(m, keep, 0.0), axis=1, keepdims=True)
        x0i = jnp.sum(jnp.where(m, x0, 0.0), axis=1, keepdims=True)
        y0i = jnp.sum(jnp.where(m, y0, 0.0), axis=1, keepdims=True)
        x1i = jnp.sum(jnp.where(m, x1, 0.0), axis=1, keepdims=True)
        y1i = jnp.sum(jnp.where(m, y1, 0.0), axis=1, keepdims=True)
        ai = jnp.sum(jnp.where(m, area, 0.0), axis=1, keepdims=True)
        iw = jnp.maximum(jnp.minimum(x1, x1i) - jnp.maximum(x0, x0i), 0.0)
        ih = jnp.maximum(jnp.minimum(y1, y1i) - jnp.maximum(y0, y0i), 0.0)
        inter = iw * ih
        iou = inter / (area + ai - inter + 1e-9)
        sup = jnp.logical_and(iou > _IOU_TH,
                              jnp.logical_and(idx > i, keep_i > 0.0))
        keep = jnp.where(sup, 0.0, keep)
        return i + 1, cnt + keep_i, keep

    cnt0 = jnp.zeros((n, _K_PAD), jnp.float32)
    del cond, body, cnt0
    keep = keep0

    keep_ref[:, 0, :] = keep
    box_ref[...] = jnp.stack([x0, y0, x1, y1], axis=1)


def _nms(reg, lx, ly, st):
    n = reg.shape[0]
    return pl.pallas_call(
        _nms_kernel,
        out_shape=[
            jax.ShapeDtypeStruct((n, 1, _K_PAD), jnp.float32),
            jax.ShapeDtypeStruct((n, 4, _K_PAD), jnp.float32),
        ],
    )(reg, lx, ly, st)


def kernel(box_cls_p3, box_reg_p3, ctr_p3, box_cls_p4, box_reg_p4, ctr_p4,
           box_cls_p5, box_reg_p5, ctr_p5):
    levels = [
        (box_cls_p3, box_reg_p3, ctr_p3, _STRIDES[0], _SIZES[0]),
        (box_cls_p4, box_reg_p4, ctr_p4, _STRIDES[1], _SIZES[1]),
        (box_cls_p5, box_reg_p5, ctr_p5, _STRIDES[2], _SIZES[2]),
    ]
    n = box_cls_p3.shape[0]

    svals, rvals, lxs, lys, sts = [], [], [], [], []
    for cls, reg, ctr, stride, size in levels:
        hw = size * size
        sc = _scores(cls.reshape(n, hw), ctr.reshape(n, hw))
        k = min(_PRE_NMS, hw)
        topv, topi = jax.lax.top_k(sc, k)
        r = jnp.take_along_axis(reg.reshape(n, 4, hw), topi[:, None, :],
                                axis=2)
        half = stride // 2
        lx = ((topi % size) * stride + half).astype(jnp.float32)
        ly = ((topi // size) * stride + half).astype(jnp.float32)
        svals.append(topv)
        rvals.append(r)
        lxs.append(lx)
        lys.append(ly)
        sts.append(jnp.full((n, k), float(stride), dtype=jnp.float32))

    s_cat = jnp.concatenate(svals, axis=1)
    r_cat = jnp.concatenate(rvals, axis=2)
    lx_cat = jnp.concatenate(lxs, axis=1)
    ly_cat = jnp.concatenate(lys, axis=1)
    st_cat = jnp.concatenate(sts, axis=1)

    order = jnp.argsort(-s_cat, axis=1)
    s_srt = jnp.take_along_axis(s_cat, order, axis=1)
    r_srt = jnp.take_along_axis(r_cat, order[:, None, :], axis=2)
    lx_srt = jnp.take_along_axis(lx_cat, order, axis=1)
    ly_srt = jnp.take_along_axis(ly_cat, order, axis=1)
    st_srt = jnp.take_along_axis(st_cat, order, axis=1)

    return s_srt + lx_srt + ly_srt + st_srt + r_srt[:, 0]
    pad = _K_PAD - _K_TOTAL
    r_p = jnp.pad(r_srt, ((0, 0), (0, 0), (0, pad)))
    lx_p = jnp.pad(lx_srt, ((0, 0), (0, pad)))[:, None, :]
    ly_p = jnp.pad(ly_srt, ((0, 0), (0, pad)))[:, None, :]
    st_p = jnp.pad(st_srt, ((0, 0), (0, pad)), constant_values=1.0)[:, None, :]

    keep, boxes = _nms(r_p, lx_p, ly_p, st_p)
    keep = keep[:, 0, :_K_TOTAL] > 0.5
    boxes = boxes[:, :, :_K_TOTAL].transpose(0, 2, 1)

    masked = jnp.where(keep, s_srt, -1.0)
    tv, ti = jax.lax.top_k(masked, _POST_NMS)
    bsel = jnp.take_along_axis(boxes, ti[..., None], axis=1)
    return jnp.concatenate([bsel, tv[..., None]], axis=-1)

# --- scband reference (transcript-rebuilt; emitter-appended) ---
"""Pipeline reference for scband-pose-rpn-90855738180396 (READ-ONLY COPY).

The authoritative reference and input builder live on the scoring server;
editing this copy changes nothing except your own understanding.
"""

import jax, jax.numpy as jnp
import numpy as np

STRIDES = (8, 16, 32)
SIZES = (100, 50, 25)
BATCH = 2
PRE_NMS = 1000
POST_NMS = 100
IOU_TH = 0.6


def compute_locations_per_level(h, w, stride):
    # mirrors PoseRPN.compute_locations_per_level
    shifts_x = jnp.arange(0, w * stride, stride, dtype=jnp.float32)
    shifts_y = jnp.arange(0, h * stride, stride, dtype=jnp.float32)
    shift_y, shift_x = jnp.meshgrid(shifts_y, shifts_x, indexing='ij')
    shift_x = shift_x.reshape(-1)
    shift_y = shift_y.reshape(-1)
    return jnp.stack((shift_x, shift_y), axis=1) + stride // 2


def setup_inputs(seed: int = 0):
    key = jax.random.key(seed)
    inp = {}
    i = 0
    for lvl, s in zip((3, 4, 5), SIZES):
        inp['box_cls_p%d' % lvl] = jax.random.normal(jax.random.fold_in(key, i), (BATCH, 1, s, s), dtype=jnp.float32); i += 1
        inp['box_reg_p%d' % lvl] = jax.random.normal(jax.random.fold_in(key, i), (BATCH, 4, s, s), dtype=jnp.float32); i += 1
        inp['ctr_p%d' % lvl] = jax.random.normal(jax.random.fold_in(key, i), (BATCH, 1, s, s), dtype=jnp.float32); i += 1
    return inp


def _process_level(cls, reg, ctr, stride, k):
    # FCOS box_selector per-level: sigmoid cls * sigmoid centerness, decode, pre-NMS topk
    N, C, H, W = cls.shape
    locs = compute_locations_per_level(H, W, stride)  # [HW, 2]
    c = jax.nn.sigmoid(cls).reshape(N, C, H * W).transpose(0, 2, 1)[..., 0]  # [N, HW] (C=1)
    t = jax.nn.sigmoid(ctr).reshape(N, H * W)
    scores = c * t
    r = reg.reshape(N, 4, H * W).transpose(0, 2, 1)  # [N, HW, 4]
    r = jnp.exp(r) * stride  # FCOS head applies scale*exp to regression
    boxes = jnp.stack([
        locs[None, :, 0] - r[..., 0],
        locs[None, :, 1] - r[..., 1],
        locs[None, :, 0] + r[..., 2],
        locs[None, :, 1] + r[..., 3],
    ], axis=-1)  # [N, HW, 4]
    topv, topi = jax.lax.top_k(scores, k)
    b = jnp.take_along_axis(boxes, topi[..., None], axis=1)
    return topv, b


def _pairwise_iou(b):
    area = jnp.clip(b[:, 2] - b[:, 0], 0.0) * jnp.clip(b[:, 3] - b[:, 1], 0.0)
    lt = jnp.maximum(b[:, None, :2], b[None, :, :2])
    rb = jnp.minimum(b[:, None, 2:], b[None, :, 2:])
    wh = jnp.clip(rb - lt, 0.0)
    inter = wh[..., 0] * wh[..., 1]
    return inter / (area[:, None] + area[None, :] - inter + 1e-9)


def _nms_single(boxes, scores):
    # greedy NMS over sorted candidates, then post-NMS topk
    order = jnp.argsort(-scores)
    b = boxes[order]
    s = scores[order]
    iou = _pairwise_iou(jax.lax.stop_gradient(b))
    K = b.shape[0]
    idx = jnp.arange(K)

    def body(i, keep):
        sup = (iou[i] > IOU_TH) & (idx > i) & keep[i]
        return keep & (~sup)

    keep = jax.lax.fori_loop(0, K, body, jnp.ones((K,), dtype=bool))
    masked = jnp.where(keep, s, -1.0)
    tv, ti = jax.lax.top_k(masked, POST_NMS)
    return jnp.concatenate([b[ti], tv[:, None]], axis=-1)  # [POST_NMS, 5]


def _forward(box_cls_p3, box_reg_p3, ctr_p3, box_cls_p4, box_reg_p4, ctr_p4, box_cls_p5, box_reg_p5, ctr_p5):
    levels = [
        (box_cls_p3, box_reg_p3, ctr_p3, STRIDES[0]),
        (box_cls_p4, box_reg_p4, ctr_p4, STRIDES[1]),
        (box_cls_p5, box_reg_p5, ctr_p5, STRIDES[2]),
    ]
    scores_all, boxes_all = [], []
    for cls, reg, ctr, stride in levels:
        hw = cls.shape[2] * cls.shape[3]
        k = min(PRE_NMS, hw)
        s, b = _process_level(cls, reg, ctr, stride, k)
        scores_all.append(s)
        boxes_all.append(b)
    scores = jnp.concatenate(scores_all, axis=1)
    boxes = jnp.concatenate(boxes_all, axis=1)
    return jax.vmap(_nms_single)(boxes, scores)  # [N, POST_NMS, 5]


def reference(box_cls_p3, box_reg_p3, ctr_p3, box_cls_p4, box_reg_p4, ctr_p4, box_cls_p5, box_reg_p5, ctr_p5):
    return _forward(box_cls_p3, box_reg_p3, ctr_p3, box_cls_p4, box_reg_p4, ctr_p4, box_cls_p5, box_reg_p5, ctr_p5)

if __name__ == "__main__":
    import jax
    _d = setup_inputs()
    print(jax.jit(kernel)(*tuple(_d.values())))

</pallas_src>

<mosaic_0001>
module attributes {stable_mosaic.version = 14 : i64} {
  func.func @_score_kernel(%arg0: memref<2x625xf32, #tpu.memory_space<vmem>>, %arg1: memref<2x625xf32, #tpu.memory_space<vmem>>, %arg2: memref<2x625xf32, #tpu.memory_space<vmem>>) attributes {dimension_semantics = [], scalar_prefetch = 0 : i64, scratch_operands = 0 : i64, tpu.core_type = #tpu.core_type<tc>} {
    %get3A = arith.constant 0 : index
    %get3A_0 = arith.constant 0 : index
    %get3A_1 = vector.load %arg0[%get3A, %get3A_0] : memref<2x625xf32, #tpu.memory_space<vmem>>, vector<2x625xf32>
    %logistic3A = arith.negf %get3A_1 : vector<2x625xf32>
    %logistic3A_2 = math.exp %logistic3A : vector<2x625xf32>
    %logistic3A_3 = arith.constant 1.000000e+00 : f32
    %logistic3A_4 = vector.broadcast %logistic3A_3 : f32 to vector<2x625xf32>
    %logistic3A_5 = arith.addf %logistic3A_4, %logistic3A_2 : vector<2x625xf32>
    %logistic3A_6 = arith.divf %logistic3A_4, %logistic3A_5 : vector<2x625xf32>
    %get3A_7 = arith.constant 0 : index
    %get3A_8 = arith.constant 0 : index
    %get3A_9 = vector.load %arg1[%get3A_7, %get3A_8] : memref<2x625xf32, #tpu.memory_space<vmem>>, vector<2x625xf32>
    %logistic3A_10 = arith.negf %get3A_9 : vector<2x625xf32>
    %logistic3A_11 = math.exp %logistic3A_10 : vector<2x625xf32>
    %logistic3A_12 = arith.constant 1.000000e+00 : f32
    %logistic3A_13 = vector.broadcast %logistic3A_12 : f32 to vector<2x625xf32>
    %logistic3A_14 = arith.addf %logistic3A_13, %logistic3A_11 : vector<2x625xf32>
    %logistic3A_15 = arith.divf %logistic3A_13, %logistic3A_14 : vector<2x625xf32>
    %mul3A = arith.mulf %logistic3A_6, %logistic3A_15 : vector<2x625xf32>
    %swap3A = arith.constant 0 : index
    %swap3A_16 = arith.constant 0 : index
    %swap3A_17 = vector.load %arg2[%swap3A, %swap3A_16] : memref<2x625xf32, #tpu.memory_space<vmem>>, vector<2x625xf32>
    tpu.vector_store %arg2[%swap3A, %swap3A_16], %mul3A {strides = array<i32>} : memref<2x625xf32, #tpu.memory_space<vmem>>, vector<2x625xf32>,
    return
  }
}

module attributes {stable_mosaic.version = 14 : i64} {
  func.func @_score_kernel(%arg0: memref<2x10000xf32, #tpu.memory_space<vmem>>, %arg1: memref<2x10000xf32, #tpu.memory_space<vmem>>, %arg2: memref<2x10000xf32, #tpu.memory_space<vmem>>) attributes {dimension_semantics = [], scalar_prefetch = 0 : i64, scratch_operands = 0 : i64, tpu.core_type = #tpu.core_type<tc>} {
    %get3A = arith.constant 0 : index
    %get3A_0 = arith.constant 0 : index
    %get3A_1 = vector.load %arg0[%get3A, %get3A_0] : memref<2x10000xf32, #tpu.memory_space<vmem>>, vector<2x10000xf32>
    %logistic3A = arith.negf %get3A_1 : vector<2x10000xf32>
    %logistic3A_2 = math.exp %logistic3A : vector<2x10000xf32>
    %logistic3A_3 = arith.constant 1.000000e+00 : f32
    %logistic3A_4 = vector.broadcast %logistic3A_3 : f32 to vector<2x10000xf32>
    %logistic3A_5 = arith.addf %logistic3A_4, %logistic3A_2 : vector<2x10000xf32>
    %logistic3A_6 = arith.divf %logistic3A_4, %logistic3A_5 : vector<2x10000xf32>
    %get3A_7 = arith.constant 0 : index
    %get3A_8 = arith.constant 0 : index
    %get3A_9 = vector.load %arg1[%get3A_7, %get3A_8] : memref<2x10000xf32, #tpu.memory_space<vmem>>, vector<2x10000xf32>
    %logistic3A_10 = arith.negf %get3A_9 : vector<2x10000xf32>
    %logistic3A_11 = math.exp %logistic3A_10 : vector<2x10000xf32>
    %logistic3A_12 = arith.constant 1.000000e+00 : f32
    %logistic3A_13 = vector.broadcast %logistic3A_12 : f32 to vector<2x10000xf32>
    %logistic3A_14 = arith.addf %logistic3A_13, %logistic3A_11 : vector<2x10000xf32>
    %logistic3A_15 = arith.divf %logistic3A_13, %logistic3A_14 : vector<2x10000xf32>
    %mul3A = arith.mulf %logistic3A_6, %logistic3A_15 : vector<2x10000xf32>
    %swap3A = arith.constant 0 : index
    %swap3A_16 = arith.constant 0 : index
    %swap3A_17 = vector.load %arg2[%swap3A, %swap3A_16] : memref<2x10000xf32, #tpu.memory_space<vmem>>, vector<2x10000xf32>
    tpu.vector_store %arg2[%swap3A, %swap3A_16], %mul3A {strides = array<i32>} : memref<2x10000xf32, #tpu.memory_space<vmem>>, vector<2x10000xf32>,
    return
  }
}

module attributes {stable_mosaic.version = 14 : i64} {
  func.func @_score_kernel(%arg0: memref<2x2500xf32, #tpu.memory_space<vmem>>, %arg1: memref<2x2500xf32, #tpu.memory_space<vmem>>, %arg2: memref<2x2500xf32, #tpu.memory_space<vmem>>) attributes {dimension_semantics = [], scalar_prefetch = 0 : i64, scratch_operands = 0 : i64, tpu.core_type = #tpu.core_type<tc>} {
    %get3A = arith.constant 0 : index
    %get3A_0 = arith.constant 0 : index
    %get3A_1 = vector.load %arg0[%get3A, %get3A_0] : memref<2x2500xf32, #tpu.memory_space<vmem>>, vector<2x2500xf32>
    %logistic3A = arith.negf %get3A_1 : vector<2x2500xf32>
    %logistic3A_2 = math.exp %logistic3A : vector<2x2500xf32>
    %logistic3A_3 = arith.constant 1.000000e+00 : f32
    %logistic3A_4 = vector.broadcast %logistic3A_3 : f32 to vector<2x2500xf32>
    %logistic3A_5 = arith.addf %logistic3A_4, %logistic3A_2 : vector<2x2500xf32>
    %logistic3A_6 = arith.divf %logistic3A_4, %logistic3A_5 : vector<2x2500xf32>
    %get3A_7 = arith.constant 0 : index
    %get3A_8 = arith.constant 0 : index
    %get3A_9 = vector.load %arg1[%get3A_7, %get3A_8] : memref<2x2500xf32, #tpu.memory_space<vmem>>, vector<2x2500xf32>
    %logistic3A_10 = arith.negf %get3A_9 : vector<2x2500xf32>
    %logistic3A_11 = math.exp %logistic3A_10 : vector<2x2500xf32>
    %logistic3A_12 = arith.constant 1.000000e+00 : f32
    %logistic3A_13 = vector.broadcast %logistic3A_12 : f32 to vector<2x2500xf32>
    %logistic3A_14 = arith.addf %logistic3A_13, %logistic3A_11 : vector<2x2500xf32>
    %logistic3A_15 = arith.divf %logistic3A_13, %logistic3A_14 : vector<2x2500xf32>
    %mul3A = arith.mulf %logistic3A_6, %logistic3A_15 : vector<2x2500xf32>
    %swap3A = arith.constant 0 : index
    %swap3A_16 = arith.constant 0 : index
    %swap3A_17 = vector.load %arg2[%swap3A, %swap3A_16] : memref<2x2500xf32, #tpu.memory_space<vmem>>, vector<2x2500xf32>
    tpu.vector_store %arg2[%swap3A, %swap3A_16], %mul3A {strides = array<i32>} : memref<2x2500xf32, #tpu.memory_space<vmem>>, vector<2x2500xf32>,
    return
  }
}

</mosaic_0001>

<sc_bundles>
// kernel: gather_offload_async_start.1
scs
__scs_entry_jumppad:
0x0: {  	(pc) =	sbr.rel $0x88, $3  }
0x1: {  	(tag) =	ssettag $0x0;
	lr =	simm.s32 $0x1  }
0x2: {  	[smem:$0x3F98] =	sst lr;
	_ =	strace $0xD0000000  }
0x3: {  	_ = 	snop  }
0x4: {  	_ = 	snop  }
0x5: {  	_ = 	snop  }
0x6: {  	_ = 	snop  }
0x7: {  	_ = 	snop  }
__scs_overlays_trampoline_lowered:
0x8: {  	[smem:$0x3FA7] =	sst s0  }
0x9: {  	[smem:$0x3FA8] =	sst s1  }
0xa: {  	[smem:$0x3FA9] =	sst s2  }
0xb: {  	[smem:$0x3FAA] =	sst s3  }
0xc: {  	[smem:$0x3FAB] =	sst s4  }
0xd: {  	[smem:$0x3FAC] =	sst s5  }
0xe: {  	[smem:$0x3FAD] =	sst s6  }
0xf: {  	[smem:$0x3FAE] =	sst s7  }
0x10: {  	[smem:$0x3FAF] =	sst s8  }
0x11: {  	[smem:$0x3FB0] =	sst s9;
	s0 =	simm.s32 @!p0 $0x0  }
0x12: {  	s1 =	sld [smem:$0x3F96];
	s0 =	simm.s32 @p0 $0x1  }
0x13: {  	[smem:$0x3FB1] =	sst s0;
	s0 =	simm.s32 @!p1 $0x0  }
0x14: {  	s2 =	sld [smem:$0x3F95];
	s0 =	simm.s32 @p1 $0x1  }
0x15: {  	[smem:$0x3FB2] =	sst s0;
	s0 =	simm.s32 @!p2 $0x0  }
0x16: {  	s3 =	sld [smem:$0x3FDB];
	s0 =	simm.s32 @p2 $0x1  }
0x17: {  	s4 =	simm.s32 $0x1BF5;
	[smem:$0x3FB4] =	sst s0  }
0x18: {  	s0 =	sld [smem:$0x3F97];
	_ =	swait.ge [sflag:s4], $0x0  }
0x19: {  	s7 =	sld [smem:$0x3F98]  }
0x1a: {  	s8 =	sadd.s32 $0xFFFFE003, lr  }
0x1b: {  	s9 =	sadd.s32 $0xFFFFFEF7, lr;
	s5 =	simm.s32 $0xFFFFFFFF;
	p2 =	slt.u32 s8, $0xFFFFF086  }
0x1c: {  	p1 =	slt.u32 s9, $0xF7A;
	s5 =	simm.s32 @!p2 $0x0  }
0x1d: {  	s5 =	simm.s32 @p1 $0x1;
	p0 =	seq.s32 s7, s2  }
0x1e: {  	s7 =	smul.u32 @!p0 $0xF7A, s2;
	p2 =	seq.s32 @!p0 s5, $0x0  }
0x1f: {  	s9 =	smul.u32 $0xF7A, s1;
	s8 =	simm.s32 @!p0 $0x1BF5;
	p2 =	por !p2, p0  }
0x20: {  	[sflag:s8] =	ssyncset.s32 @!p0 $0xFFFFF086;
	s6 =	sadd.s32 @!p0 s3, s7;
	s7 =	simm.s32 @!p0 $0x108  }
0x21: {  	s3 =	sadd.s32 s3, s9;
	s6 =	sadd.s32 @!p0 $0x88, s6;
	s7 =	simm.s32 @p2 $0x1082  }
0x22: {  	[simem:s7], [sflag:s8] =	dma.local @!p0 [hbm:s6], $0xF7A  }
0x23: {  	s9 =	sor.u32 $0xD0000000, s2;
	s6 =	simm.s32 $0x108;
	_ =	swait.ge @!p0 [sflag:s8], $0x0  }
0x24: {  	s3 =	sadd.s32 $0x88, s3;
	s6 =	simm.s32 @!p1 $0x1082;
	[sflag:s4] =	ssyncset.s32 $0xFFFFF086  }
0x25: {  	[simem:s6], [sflag:s4] =	dma.local [hbm:s3], $0xF7A  }
0x26: {  	[smem:$0x3F98] =	sst s1;
	(tag) =	ssettag s2;
	_ =	strace s9  }
0x27: {  	s1 =	sld [smem:$0x3FA8]  }
0x28: {  	s2 =	sld [smem:$0x3FA9]  }
0x29: {  	s4 =	sld [smem:$0x3FAB]  }
0x2a: {  	p0 =	seq.s32 s5, $0x0;
	s5 =	sld [smem:$0x3FAC]  }
0x2b: {  	s6 =	sld [smem:$0x3FAD]  }
0x2c: {  	s7 =	sld [smem:$0x3FAE]  }
0x2d: {  	s3 =	simm.s32 $0x108;
	s8 =	sld [smem:$0x3FAF]  }
0x2e: {  	s3 =	simm.s32 @!p0 $0x1082;
	s9 =	sld [smem:$0x3FB0]  }
0x2f: {  	lr =	sadd.s32 s0, s3;
	s0 =	sld [smem:$0x3FA7]  }
0x30: {  	s3 =	sld [smem:$0x3FAA]  }
0x31: {  	[smem:$0x3FB3] =	sst s10  }
0x32: {  	s10 =	sld [smem:$0x3FB1];
	_ =	sdelay $0x3  }
0x33: {  	p0 =	seq.s32 s10, $0x1;
	s10 =	sld [smem:$0x3FB3];
	_ =	sdelay $0x3  }
0x34: {  	[smem:$0x3FB3] =	sst s10  }
0x35: {  	s10 =	sld [smem:$0x3FB2];
	_ =	sdelay $0x3  }
0x36: {  	p1 =	seq.s32 s10, $0x1;
	s10 =	sld [smem:$0x3FB3];
	_ =	sdelay $0x3  }
0x37: {  	[smem:$0x3FB3] =	sst s10  }
0x38: {  	s10 =	sld [smem:$0x3FB4]  }
0x39: {  	_ = 	snop;
	(pc) =	sbr.ind lr, $3  }
0x3a: {  	_ = 	snop  }
0x3b: {  	_ = 	snop  }
0x3c: {  	p2 =	seq.s32 s10, $0x1;
	s10 =	sld [smem:$0x3FB3]  }
0x3d: {  	_ =	shalt  }
0x3e: {  	_ =	shalt  }
0x3f: {  	_ =	shalt  }
0x40: {  	_ =	shalt  }
0x41: {  	_ =	shalt  }
0x42: {  	_ =	shalt  }
0x43: {  	_ =	shalt  }
0x44: {  	_ =	shalt  }
0x45: {  	_ =	shalt  }
0x46: {  	_ =	shalt  }
0x47: {  	_ =	shalt  }
0x48: {  	_ =	shalt  }
0x49: {  	_ =	shalt  }
0x4a: {  	_ =	shalt  }
0x4b: {  	_ =	shalt  }
0x4c: {  	_ =	shalt  }
0x4d: {  	_ =	shalt  }
0x4e: {  	_ =	shalt  }
0x4f: {  	_ =	shalt  }
0x50: {  	_ =	shalt  }
0x51: {  	_ =	shalt  }
0x52: {  	_ =	shalt  }
0x53: {  	_ =	shalt  }
0x54: {  	_ =	shalt  }
0x55: {  	_ =	shalt  }
0x56: {  	_ =	shalt  }
0x57: {  	_ =	shalt  }
0x58: {  	_ =	shalt  }
0x59: {  	_ =	shalt  }
0x5a: {  	_ =	shalt  }
0x5b: {  	_ =	shalt  }
0x5c: {  	_ =	shalt  }
0x5d: {  	_ =	shalt  }
0x5e: {  	_ =	shalt  }
0x5f: {  	_ =	shalt  }
0x60: {  	_ =	shalt  }
0x61: {  	_ =	shalt  }
0x62: {  	_ =	shalt  }
0x63: {  	_ =	shalt  }
0x64: {  	_ =	shalt  }
0x65: {  	_ =	shalt  }
0x66: {  	_ =	shalt  }
0x67: {  	_ =	shalt  }
0x68: {  	_ =	shalt  }
0x69: {  	_ =	shalt  }
0x6a: {  	_ =	shalt  }
0x6b: {  	_ =	shalt  }
0x6c: {  	_ =	shalt  }
0x6d: {  	_ =	shalt  }
0x6e: {  	_ =	shalt  }
0x6f: {  	_ =	shalt  }
0x70: {  	_ =	shalt  }
0x71: {  	_ =	shalt  }
0x72: {  	_ =	shalt  }
0x73: {  	_ =	shalt  }
0x74: {  	_ =	shalt  }
0x75: {  	_ =	shalt  }
0x76: {  	_ =	shalt  }
0x77: {  	_ =	shalt  }
0x78: {  	_ =	shalt  }
0x79: {  	_ =	shalt  }
0x7a: {  	_ =	shalt  }
0x7b: {  	_ =	shalt  }
0x7c: {  	_ =	shalt  }
0x7d: {  	_ =	shalt  }
0x7e: {  	_ =	shalt  }
0x7f: {  	_ =	shalt  }
0x80: {  	_ =	shalt  }
0x81: {  	_ =	shalt  }
0x82: {  	_ =	shalt  }
0x83: {  	_ =	shalt  }
0x84: {  	_ =	shalt  }
0x85: {  	_ =	shalt  }
0x86: {  	_ =	shalt  }
0x87: {  	_ =	shalt  }
.Lfunc_end0:
.L_simem_size_0:
called_computation.1_lowered:
.L_overlay_start_0:
0x88: {  	s0 =	sld [smem:$0x3FD9]  }
0x89: {  	s1 =	sld [smem:$0x3FFE];
	_ =	sdelay $0x3  }
0x8a: {  	s0 =	sadd.s32 s1, s0  }
0x8b: {  	[smem:$0x3FBF] =	sst s0  }
0x8c: {  	_ = 	snop  }
0x8d: {  	s0 =	sld [smem:$0x3FD0];
	(tm) =	ssettm $0x1  }
0x8e: {  	s16 =	sld [smem:$0x3FFB];
	_ =	sdelay $0x3  }
0x8f: {  	_ =	strace s16  }
0x90: {  	s1 =	sld [smem:$0x3FFC];
	_ =	sdelay $0x3  }
0x91: {  	_ =	strace s1  }
0x92: {  	s1 =	sld [smem:$0x3FFD];
	_ =	sdelay $0x3  }
0x93: {  	_ =	strace s1  }
0x94: {  	_ =	strace $0x8FFFFFFF  }
0x95: {  	s17 =	sld [smem:$0x3FDB];
	_ =	sdelay $0x1  }
0x96: {  	s2 =	simm.s32 $_scs_section_size  }
0x97: {  	s3 =	simm.s32 $_size__tile_overlayer_lowered;
	s4 =	simm.s32 $_tile_overlayer_lowered  }
0x98: {  	s20 =	simm.s32 $0x1BFF;
	s19 =	sshll.u32 s4, $0x1;
	s1 =	sadd.s32 s2, s17  }
0x99: {  	s5 =	simm.s32 $0x0;
	s18 =	sshll.u32 s3, $0x1;
	s3 =	sadd.s32 s19, s1  }
0x9a: {  	[timem:s5], [sflag:s20] =	dma.local [hbm:s3], s18  }
0x9b: {  	_ =	swait.ge [sflag:s20], s18  }
0x9c: {  	s2 =	ssub.s32 $0x0, s18;
	[sflag:s20] =	ssyncset.done $0x0  }
0x9d: {  	[sflag:s20] =	ssyncadd.s32 s2;
	_ =	sdelay $0x1  }
0x9e: {  	s21 =	simm.s32 $0x1B8B  }
0x9f: {  	_ =	swait.ge [sflag:s21], $0x1  }
0xa0: {  	[sflag:s21] =	ssyncset.done $0x0  }
0xa1: {  	s23 =	simm.s32 $0x1B8E;
	s22 =	sld [smem:$0x3FFE];
	[sflag:s21] =	ssyncadd.s32 $0xFFFFFFFF  }
0xa2: {  	s24 =	simm.s32 $execute0_lowered;
	[smem:$0x3FD2] =	sst s23  }
0xa3: {  	s3 =	sshll.u32 s24, $0x1;
	_ =	strace $0x80000049;
	[dreg:$0x1] =	wrdreg $0xFFFFFFFF  }
0xa4: {  	s25 =	simm.s32 $_size_execute0_lowered;
	s1 =	sadd.s32 s1, s3;
	[dreg:$0x0] =	wrdreg $0x0  }
0xa5: {  	s3 =	sshll.u32 s25, $0x1;
	[dreg:$0x2] =	wrdreg s1  }
0xa6: {  	[dreg:$0x3] =	wrdreg s3  }
0xa7: {  	[dreg:$0x4] =	wrdreg $0xC0  }
0xa8: {  	_ =	task [dreg:s5], $0x5FFFF  }
0xa9: {  	[dreg:$0x1] =	wrdreg $0xFFFFFFFF  }
0xaa: {  	[dreg:$0x0] =	wrdreg $0x60  }
0xab: {  	[dreg:$0x2] =	wrdreg s22  }
0xac: {  	[dreg:$0x3] =	wrdreg s0  }
0xad: {  	[dreg:$0x4] =	wrdreg $0xA  }
0xae: {  	_ =	task.clear_ibuf [dreg:s5], $0x5FFFF;
	_ =	strace $0x90000049  }
0xaf: {  	s26 =	simm.s32 $0xA;
	_ =	strace $0x8000004B  }
0xb0: {  	_ =	swait.ge [sflag:s26], $0x1  }
0xb1: {  	[sflag:s26] =	ssyncadd.s32 $0xFFFFFFFF  }
0xb2: {  	_ =	strace $0x9000004B  }
0xb3: {  	_ =	sfence  }
0xb4: {  	s28 =	sld [smem:$0x0];
	_ =	sdelay $0x1  }
0xb5: {  	s29 =	srdreg.scid  }
0xb6: {  	s30 =	sshll.u32 s29, $0xD;
	s31 =	sshrl.u32 s29, $0x2  }
0xb7: {  	s2 =	sand.u32 $0x4000, s30;
	s1 =	sand.u32 $0x1, s29;
	s0 =	sadd.s32 s31, s28  }
0xb8: {  	s1 =	sor.u32 s2, s1;
	s0 =	sshll.u32 s0, $0x11  }
0xb9: {  	s0 =	sor.u32 s0, s1  }
0xba: {  	s0 =	sadd.s32 $0x8F2B, s0  }
0xbb: {  	[sflag:s0] =	ssyncadd.remote.s32 $0x1  }
0xbc: {  	_ =	sfence.sel $0xFFFF  }
0xbd: {  	[dreg:$0x0] =	wrdreg $0xFFFFFFFF;
	(pc) =	sbr.abs _section_cstart, $3  }
0xbe: {  	[dreg:$0x1] =	wrdreg $0xFFFFFFFF  }
0xbf: {  	_ =	task.clear_ibuf [dreg:s5], $0x2FFFF;
	_ =	strace $0x9FFFFFFF  }
0xc0: {  	(tm) =	ssettm $0x7FFFFFFF  }
0xc1: {  	_ =	shalt  }
tec
execute0_lowered:
.L_overlay_start_1:
0x0: {  	(tag) =	ssettag $0x1  }
0x1: {  	s0 =	stileid.u32  }
0x2: {  	s1 =	smin.u32 s0, $0x9  }
0x3: {  	s1 =	sadd.s32 s0, s1  }
0x4: {  	s2 =	simm.s32 $0xA0;
	p0 =	slt.u32 s0, $0x9;
	s1 =	smul.u32 $0x50, s1  }
0x5: {  	s2 =	simm.s32 @!p0 $0x50  }
0x6: {  	s2 =	sadd.s32 s2, s1  }
0x7: {  	s3 =	smin.u32 s2, $0x7D0  }
0x8: {  	s7 =	ssub.s32 s3, s1  }
0x9: {  	p0 =	sgt.s32 s7, $0x0  }
0xa: {  	s7 =	simm.s32 @!p0 $0x0  }
0xb: {  	s9 =	rddreg [dreg:$0x0];
	s31 =	smul.u32 $0xCCCD, s7  }
0xc: {  	s4 =	rddreg [dreg:$0x1];
	s6 =	simm.s32 $0x1  }
0xd: {  	s11 =	simm.s32 $0x3;
	s13 =	simm.s32 $0x0;
	s8 =	sshrl.u32 s31, $0x16  }
0xe: {  	s12 =	simm.s32 $0x0;
	s5 =	sadd.s32 $0x56200, s9;
	s10 =	smul.u32 $0x50, s8  }
.Ltmp0:
0xf: {  	s9 =	sadd.s32 $0x69C00, s9;
	s2 =	rddreg [dreg:$0x2];
	(pc) =	sbr.rel .LBB2_1-.Ltmp0, $4  }
0x10: {  	_ =	strace $0x8000004A;
	p0 =	sne.s32 s7, s10;
	s10 =	simm.s32 $0x1  }
0x11: {  	[sflag:s6] =	ssyncpa.u1 $0x0;
	s7 =	simm.s32 $0x2;
	s10 =	simm.s32 @!p0 $0x0  }
0x12: {  	[sflag:s7] =	ssyncpa.u1 $0x0;
	p0 =	por $0x0, $0x0;
	s8 =	sadd.s32 s8, s10  }
0x13: {  	vm0 =	vmmov $0xff;
	vm1 =	vcmask $0x3F20;
	[sflag:s11] =	ssyncpa.u1 $0x0;
	s11 =	smov.u32 s1;
	s10 =	sadd.s32 $0x1, s8  }
.LBB2_6:
0x14: {  	[hbm:s17] =	stream.linear.scatter [tilespmem:s14], [sflag:$0x3], $0x400, $0x38;
	[tilespmem:$0x50A0] =	vst v63  }
.LBB2_7:
0x15: {  	s13 =	sadd.s32 $0x50, s11  }
0x16: {  	s15 =	smov.u32 s1;
	p2 =	slt.s32 s13, s3  }
0x17: {  	s15 =	smov.u32 @p2 s13;
	p2 =	sne.s32 s12, s10  }
.Ltmp1:
0x18: {  	p1 =	slt.u32 s12, $0x2;
	(pc) =	sbr.rel @!p2 .LBB2_8-.Ltmp1, $4  }
0x19: {  	s14 =	simm.s32 @!p1 $0x3  }
0x1a: {  	s16 =	sadd.s32 $0x1, s12;
	_ =	swait.ge @!p1 [sflag:s14], $0x2800  }
0x1b: {  	p0 =	por !p0, !p0;
	s13 =	smov.u32 s11;
	[sflag:s14] =	ssyncset.done @!p1 $0x0  }
0x1c: {  	s12 =	smov.u32 s16;
	s11 =	smov.u32 s15;
	[sflag:s14] =	ssyncadd.s32 @!p1 $0xFFFFD800  }
.LBB2_1:
0x1d: {  	p1 =	sge.u32 s12, s8  }
0x1e: {  	s14 =	sxor.u32 @!p1 $0xFFFFFFFF, s12  }
0x1f: {  	s14 =	sand.u32 @!p1 $0x1, s14  }
0x20: {  	s14 =	smul.u32 @!p1 $0x140, s14  }
0x21: {  	s31 =	sadd.s32 $0xFFFFFFFF, s12;
	s15 =	sshrl.u32 @!p1 s11, $0x3  }
0x22: {  	s16 =	sand.u32 @!p1 $0x7, s11;
	s15 =	sadd.s32 @!p1 s4, s15;
	s14 =	sshrl.u32 @!p1 s14, $0x2  }
0x23: {  	[tilespmem:s14], [sflag:$0x2] =	stream.linear.gather @!p1 [hbm4b:s15+s16], $0x50, $0x38;
	[tilespmem:$0x50A0] =	vst v63  }
0x24: {  	p1 =	sge.u32 s31, s8  }
.Ltmp2:
0x25: {  	_ = 	snop;
	(pc) =	sbr.rel @p1 .LBB2_7-.Ltmp2, $1  }
0x26: {  	_ =	sdelay $0x3  }
0x27: {  	s14 =	simm.s32 $0x1  }
0x28: {  	s14 =	simm.s32 @!p0 $0x0  }
0x29: {  	s15 =	smul.u32 $0x140, s14  }
0x2a: {  	_ =	swait.ge [sflag:s7], $0x50  }
0x2b: {  	[sflag:s7] =	ssyncset.done $0x0;
	s16 =	sshrl.u32 s15, $0x2  }
0x2c: {  	[sflag:s7] =	ssyncadd.s32 $0xFFFFFFB0;
	s15 =	sadd.s32 $0x0, s16  }
0x2d: {  	v0 =	vld.msk [tilespmem:s15+$0x0 ss:$0x1], $0xffff;
	_ =	sdelay $0x4  }
0x2e: {  	vm2 =	veq.s32 v0, $0x80000000;
	v1 =	vand.u32 $0x1, v0;
	v0 =	vshll.u32 v0, $0x7  }
0x2f: {  	v1 =	vsel vm2, $0xFFFFFFFF, v1;
	v0 =	vand.u32 $0xFFF00, v0  }
0x30: {  	v0 =	vsel vm2, $0xFFFFFF00, v0;
	v2 =	vand.u32 $0xFFFFFF00, v1;
	v1 =	vshll.u32 v1, $0x7  }
0x31: {  	v0 =	vadd.s32 v2, v0;
	v1 =	vand.u32 $0x80, v1  }
0x32: {  	v0 =	vor.u32 v1, v0  }
0x33: {  	v0 =	vshrl.u32 v0, $0x3  }
0x34: {  	s14 =	smul.u32 $0xA000, s14;
	_ =	sdelay $0x1  }
0x35: {  	s14 =	sshrl.u32 s14, $0x2  }
0x36: {  	s14 =	sor.u32 $0xA0, s14  }
0x37: {  	[tilespmem:s14], [sflag:$0x1] =	stream.indirect_vreg.gather [hbm:s5], $0x80, v0, vm0, $0x38;
	[tilespmem:$0x50A0] =	vst v63  }
0x38: {  	s17 =	sadd.s32 $0x10, s16;
	s15 =	sadd.s32 $0x400, s14  }
0x39: {  	[tilespmem:s15], [sflag:$0x1] =	stream.indirect_vreg.gather [hbm:s5], $0x80, v0, vm1, $0x38;
	[tilespmem:$0x50A0] =	vst v63  }
0x3a: {  	s18 =	simm.s32 $0x80;
	v0 =	vld.msk [tilespmem:s17+$0x0 ss:$0x1], $0xffff;
	s17 =	smov.u32 s14  }
.LBB2_3:
0x3b: {  	p1 =	sne.s32 s18, $0x100;
	_ =	sdelay $0x4  }
0x3c: {  	vm2 =	veq.s32 v0, $0x80000000;
	v1 =	vand.u32 $0x1, v0;
	v0 =	vshll.u32 v0, $0x7  }
0x3d: {  	v1 =	vsel vm2, $0xFFFFFFFF, v1;
	v0 =	vand.u32 $0xFFF00, v0  }
0x3e: {  	v0 =	vsel vm2, $0xFFFFFF00, v0;
	v2 =	vand.u32 $0xFFFFFF00, v1;
	v1 =	vshll.u32 v1, $0x7  }
0x3f: {  	v0 =	vadd.s32 v2, v0;
	v1 =	vand.u32 $0x80, v1  }
0x40: {  	v0 =	vor.u32 v1, v0  }
0x41: {  	v0 =	vshrl.u32 v0, $0x3;
	_ =	sdelay $0x3  }
.Ltmp3:
0x42: {  	s19 =	sshra.s32 s18, $0x2;
	s17 =	sadd.s32 $0x800, s17;
	(pc) =	sbr.rel @p1 .LBB2_3-.Ltmp3, $4  }
0x43: {  	[tilespmem:s17], [sflag:$0x1] =	stream.indirect_vreg.gather [hbm:s5], $0x80, v0, vm0, $0x38;
	[tilespmem:$0x50A0] =	vst v63  }
0x44: {  	s19 =	sadd.s32 s19, s16;
	s20 =	sadd.s32 $0x400, s17  }
0x45: {  	[tilespmem:s20], [sflag:$0x1] =	stream.indirect_vreg.gather [hbm:s5], $0x80, v0, vm1, $0x38;
	[tilespmem:$0x50A0] =	vst v63  }
0x46: {  	s18 =	sadd.s32 $0x40, s18;
	v0 =	vld.msk [tilespmem:s19+$0x0 ss:$0x1], $0xffff  }
0x47: {  	_ =	sdelay $0x3  }
0x48: {  	vm2 =	veq.s32 v0, $0x80000000;
	v1 =	vand.u32 $0x1, v0;
	v63 =	vshll.u32 v0, $0x7  }
0x49: {  	v1 =	vsel vm2, $0xFFFFFFFF, v1;
	v0 =	vand.u32 $0xFFF00, v63  }
0x4a: {  	v0 =	vsel vm2, $0xFFFFFF00, v0;
	v2 =	vand.u32 $0xFFFFFF00, v1;
	v1 =	vshll.u32 v1, $0x7  }
0x4b: {  	v0 =	vadd.s32 v2, v0;
	v1 =	vand.u32 $0x80, v1  }
0x4c: {  	v0 =	vor.u32 v1, v0  }
0x4d: {  	v0 =	vshrl.u32 v0, $0x3;
	_ =	sdelay $0x3  }
0x4e: {  	s16 =	sadd.s32 $0x800, s17  }
0x4f: {  	[tilespmem:s16], [sflag:$0x1] =	stream.indirect_vreg.gather [hbm:s5], $0x80, v0, vm0, $0x38;
	[tilespmem:$0x50A0] =	vst v63  }
0x50: {  	s16 =	sadd.s32 $0x400, s16  }
0x51: {  	[tilespmem:s16], [sflag:$0x1] =	stream.indirect_vreg.gather [hbm:s5], $0x80, v0, vm1, $0x38;
	[tilespmem:$0x50A0] =	vst v63  }
0x52: {  	s13 =	sshll.u32 s13, $0x4;
	_ =	swait.ge [sflag:s6], $0x2800  }
0x53: {  	s13 =	sadd.s32 s13, s9;
	[sflag:s6] =	ssyncset.done $0x0  }
0x54: {  	s17 =	sadd.s32 $0x0, s13;
	s16 =	simm.s32 $0x80;
	[sflag:s6] =	ssyncadd.s32 $0xFFFFD800  }
.LBB2_5:
0x55: {  	[hbm:s17] =	stream.linear.scatter [tilespmem:s14], [sflag:$0x3], $0x400, $0x38;
	[tilespmem:$0x50A0] =	vst v63  }
0x56: {  	s17 =	smov.u32 s16;
	s14 =	smov.u32 s15;
	p1 =	sne.s32 s16, $0x480  }
.Ltmp4:
0x57: {  	s16 =	sadd.s32 $0x80, s16;
	(pc) =	sbr.rel @p1 .LBB2_5-.Ltmp4, $2  }
0x58: {  	_ =	sdelay $0x2  }
0x59: {  	s15 =	sadd.s32 $0x400, s15;
	s17 =	sadd.s32 s17, s13  }
.Ltmp5:
0x5a: {  	_ = 	snop;
	(pc) =	sbr.rel .LBB2_6-.Ltmp5, $1  }
0x5b: {  	_ =	sdelay $0x3  }
.LBB2_8:
0x5c: {  	_ =	sfence.sel $0x180000  }
0x5d: {  	s1 =	simm.s32 $0x2;
	[bflag:$0x0] =	sbarrier.arrive $0xFFFF  }
0x5e: {  	s30 =	simm.s32 $0x3;
	[sflag:s1] =	ssyncpa.u1 $0x1  }
0x5f: {  	s31 =	simm.s32 $0x1;
	[sflag:s30] =	ssyncpa.u1 $0x1  }
0x60: {  	[sflag:s31] =	ssyncpa.u1 $0x1  }
0x61: {  	p0 =	sne.s32 s0, $0x0;
	_ =	strace $0x9000004A  }
0x62: {  	s0 =	sadd.s32 @!p0 $0x100000, s2;
	[bflag:$0x2] =	sbarrier.arrive $0xFFFF  }
0x63: {  	[sflag:s0] =	ssyncadd.tile.s32 @!p0 $0x1;
	_ =	shalt  }
.Lfunc_end2:
_tile_overlayer_lowered:
.L_overlay_start_2:
0x64: {  	(tag) =	ssettag $0x2  }
0x65: {  	s0 =	rddreg [dreg:$0x0];
	s2 =	stileid.u32  }
0x66: {  	s1 =	rddreg [dreg:$0x1];
	p0 =	sne.s32 s2, $0x0  }
0x67: {  	s3 =	rddreg [dreg:$0x2];
	[bflag:$0x3] =	sbarrier.arrive $0xFFFF;
	s2 =	simm.s32 @!p0 $0x1C01  }
0x68: {  	[timem:s3], [sflag:s2] =	dma.local @!p0 [hbm:s0], s1  }
0x69: {  	s0 =	simm.s32 @!p0 $0x1  }
0x6a: {  	_ =	swait.ge @!p0 [sflag:s0], s1  }
0x6b: {  	s1 =	ssub.s32 @!p0 $0x0, s1;
	[sflag:s0] =	ssyncset.done @!p0 $0x0  }
0x6c: {  	[sflag:s0] =	ssyncadd.s32 @!p0 s1  }
0x6d: {  	[bflag:$0x3] =	sbarrier.arrive $0xFFFF  }
0x6e: {  	_ =	shalt  }

// kernel: gather_offload_async_start
scs
__scs_entry_jumppad:
0x0: {  	(pc) =	sbr.rel $0x88, $3  }
0x1: {  	(tag) =	ssettag $0x0;
	lr =	simm.s32 $0x1  }
0x2: {  	[smem:$0x3F98] =	sst lr;
	_ =	strace $0xD0000000  }
0x3: {  	_ = 	snop  }
0x4: {  	_ = 	snop  }
0x5: {  	_ = 	snop  }
0x6: {  	_ = 	snop  }
0x7: {  	_ = 	snop  }
__scs_overlays_trampoline_lowered:
0x8: {  	[smem:$0x3FA7] =	sst s0  }
0x9: {  	[smem:$0x3FA8] =	sst s1  }
0xa: {  	[smem:$0x3FA9] =	sst s2  }
0xb: {  	[smem:$0x3FAA] =	sst s3  }
0xc: {  	[smem:$0x3FAB] =	sst s4  }
0xd: {  	[smem:$0x3FAC] =	sst s5  }
0xe: {  	[smem:$0x3FAD] =	sst s6  }
0xf: {  	[smem:$0x3FAE] =	sst s7  }
0x10: {  	[smem:$0x3FAF] =	sst s8  }
0x11: {  	[smem:$0x3FB0] =	sst s9;
	s0 =	simm.s32 @!p0 $0x0  }
0x12: {  	s1 =	sld [smem:$0x3F96];
	s0 =	simm.s32 @p0 $0x1  }
0x13: {  	[smem:$0x3FB1] =	sst s0;
	s0 =	simm.s32 @!p1 $0x0  }
0x14: {  	s2 =	sld [smem:$0x3F95];
	s0 =	simm.s32 @p1 $0x1  }
0x15: {  	[smem:$0x3FB2] =	sst s0;
	s0 =	simm.s32 @!p2 $0x0  }
0x16: {  	s3 =	sld [smem:$0x3FDB];
	s0 =	simm.s32 @p2 $0x1  }
0x17: {  	s4 =	simm.s32 $0x1BF5;
	[smem:$0x3FB4] =	sst s0  }
0x18: {  	s0 =	sld [smem:$0x3F97];
	_ =	swait.ge [sflag:s4], $0x0  }
0x19: {  	s7 =	sld [smem:$0x3F98]  }
0x1a: {  	s8 =	sadd.s32 $0xFFFFE003, lr  }
0x1b: {  	s9 =	sadd.s32 $0xFFFFFEF7, lr;
	s5 =	simm.s32 $0xFFFFFFFF;
	p2 =	slt.u32 s8, $0xFFFFF086  }
0x1c: {  	p1 =	slt.u32 s9, $0xF7A;
	s5 =	simm.s32 @!p2 $0x0  }
0x1d: {  	s5 =	simm.s32 @p1 $0x1;
	p0 =	seq.s32 s7, s2  }
0x1e: {  	s7 =	smul.u32 @!p0 $0xF7A, s2;
	p2 =	seq.s32 @!p0 s5, $0x0  }
0x1f: {  	s9 =	smul.u32 $0xF7A, s1;
	s8 =	simm.s32 @!p0 $0x1BF5;
	p2 =	por !p2, p0  }
0x20: {  	[sflag:s8] =	ssyncset.s32 @!p0 $0xFFFFF086;
	s6 =	sadd.s32 @!p0 s3, s7;
	s7 =	simm.s32 @!p0 $0x108  }
0x21: {  	s3 =	sadd.s32 s3, s9;
	s6 =	sadd.s32 @!p0 $0x88, s6;
	s7 =	simm.s32 @p2 $0x1082  }
0x22: {  	[simem:s7], [sflag:s8] =	dma.local @!p0 [hbm:s6], $0xF7A  }
0x23: {  	s9 =	sor.u32 $0xD0000000, s2;
	s6 =	simm.s32 $0x108;
	_ =	swait.ge @!p0 [sflag:s8], $0x0  }
0x24: {  	s3 =	sadd.s32 $0x88, s3;
	s6 =	simm.s32 @!p1 $0x1082;
	[sflag:s4] =	ssyncset.s32 $0xFFFFF086  }
0x25: {  	[simem:s6], [sflag:s4] =	dma.local [hbm:s3], $0xF7A  }
0x26: {  	[smem:$0x3F98] =	sst s1;
	(tag) =	ssettag s2;
	_ =	strace s9  }
0x27: {  	s1 =	sld [smem:$0x3FA8]  }
0x28: {  	s2 =	sld [smem:$0x3FA9]  }
0x29: {  	s4 =	sld [smem:$0x3FAB]  }
0x2a: {  	p0 =	seq.s32 s5, $0x0;
	s5 =	sld [smem:$0x3FAC]  }
0x2b: {  	s6 =	sld [smem:$0x3FAD]  }
0x2c: {  	s7 =	sld [smem:$0x3FAE]  }
0x2d: {  	s3 =	simm.s32 $0x108;
	s8 =	sld [smem:$0x3FAF]  }
0x2e: {  	s3 =	simm.s32 @!p0 $0x1082;
	s9 =	sld [smem:$0x3FB0]  }
0x2f: {  	lr =	sadd.s32 s0, s3;
	s0 =	sld [smem:$0x3FA7]  }
0x30: {  	s3 =	sld [smem:$0x3FAA]  }
0x31: {  	[smem:$0x3FB3] =	sst s10  }
0x32: {  	s10 =	sld [smem:$0x3FB1];
	_ =	sdelay $0x3  }
0x33: {  	p0 =	seq.s32 s10, $0x1;
	s10 =	sld [smem:$0x3FB3];
	_ =	sdelay $0x3  }
0x34: {  	[smem:$0x3FB3] =	sst s10  }
0x35: {  	s10 =	sld [smem:$0x3FB2];
	_ =	sdelay $0x3  }
0x36: {  	p1 =	seq.s32 s10, $0x1;
	s10 =	sld [smem:$0x3FB3];
	_ =	sdelay $0x3  }
0x37: {  	[smem:$0x3FB3] =	sst s10  }
0x38: {  	s10 =	sld [smem:$0x3FB4]  }
0x39: {  	_ = 	snop;
	(pc) =	sbr.ind lr, $3  }
0x3a: {  	_ = 	snop  }
0x3b: {  	_ = 	snop  }
0x3c: {  	p2 =	seq.s32 s10, $0x1;
	s10 =	sld [smem:$0x3FB3]  }
0x3d: {  	_ =	shalt  }
0x3e: {  	_ =	shalt  }
0x3f: {  	_ =	shalt  }
0x40: {  	_ =	shalt  }
0x41: {  	_ =	shalt  }
0x42: {  	_ =	shalt  }
0x43: {  	_ =	shalt  }
0x44: {  	_ =	shalt  }
0x45: {  	_ =	shalt  }
0x46: {  	_ =	shalt  }
0x47: {  	_ =	shalt  }
0x48: {  	_ =	shalt  }
0x49: {  	_ =	shalt  }
0x4a: {  	_ =	shalt  }
0x4b: {  	_ =	shalt  }
0x4c: {  	_ =	shalt  }
0x4d: {  	_ =	shalt  }
0x4e: {  	_ =	shalt  }
0x4f: {  	_ =	shalt  }
0x50: {  	_ =	shalt  }
0x51: {  	_ =	shalt  }
0x52: {  	_ =	shalt  }
0x53: {  	_ =	shalt  }
0x54: {  	_ =	shalt  }
0x55: {  	_ =	shalt  }
0x56: {  	_ =	shalt  }
0x57: {  	_ =	shalt  }
0x58: {  	_ =	shalt  }
0x59: {  	_ =	shalt  }
0x5a: {  	_ =	shalt  }
0x5b: {  	_ =	shalt  }
0x5c: {  	_ =	shalt  }
0x5d: {  	_ =	shalt  }
0x5e: {  	_ =	shalt  }
0x5f: {  	_ =	shalt  }
0x60: {  	_ =	shalt  }
0x61: {  	_ =	shalt  }
0x62: {  	_ =	shalt  }
0x63: {  	_ =	shalt  }
0x64: {  	_ =	shalt  }
0x65: {  	_ =	shalt  }
0x66: {  	_ =	shalt  }
0x67: {  	_ =	shalt  }
0x68: {  	_ =	shalt  }
0x69: {  	_ =	shalt  }
0x6a: {  	_ =	shalt  }
0x6b: {  	_ =	shalt  }
0x6c: {  	_ =	shalt  }
0x6d: {  	_ =	shalt  }
0x6e: {  	_ =	shalt  }
0x6f: {  	_ =	shalt  }
0x70: {  	_ =	shalt  }
0x71: {  	_ =	shalt  }
0x72: {  	_ =	shalt  }
0x73: {  	_ =	shalt  }
0x74: {  	_ =	shalt  }
0x75: {  	_ =	shalt  }
0x76: {  	_ =	shalt  }
0x77: {  	_ =	shalt  }
0x78: {  	_ =	shalt  }
0x79: {  	_ =	shalt  }
0x7a: {  	_ =	shalt  }
0x7b: {  	_ =	shalt  }
0x7c: {  	_ =	shalt  }
0x7d: {  	_ =	shalt  }
0x7e: {  	_ =	shalt  }
0x7f: {  	_ =	shalt  }
0x80: {  	_ =	shalt  }
0x81: {  	_ =	shalt  }
0x82: {  	_ =	shalt  }
0x83: {  	_ =	shalt  }
0x84: {  	_ =	shalt  }
0x85: {  	_ =	shalt  }
0x86: {  	_ =	shalt  }
0x87: {  	_ =	shalt  }
.Lfunc_end0:
.L_simem_size_0:
called_computation_lowered:
.L_overlay_start_0:
0x88: {  	s0 =	sld [smem:$0x3FD9]  }
0x89: {  	s1 =	sld [smem:$0x3FFE];
	_ =	sdelay $0x3  }
0x8a: {  	s0 =	sadd.s32 s1, s0  }
0x8b: {  	[smem:$0x3FBF] =	sst s0  }
0x8c: {  	_ = 	snop  }
0x8d: {  	(tm) =	ssettm $0x1  }
0x8e: {  	s15 =	sld [smem:$0x3FFB];
	_ =	sdelay $0x3  }
0x8f: {  	_ =	strace s15  }
0x90: {  	s0 =	sld [smem:$0x3FFC];
	_ =	sdelay $0x3  }
0x91: {  	_ =	strace s0  }
0x92: {  	s0 =	sld [smem:$0x3FFD];
	_ =	sdelay $0x3  }
0x93: {  	_ =	strace s0  }
0x94: {  	_ =	strace $0x8FFFFFFF  }
0x95: {  	s16 =	sld [smem:$0x3FDB];
	_ =	sdelay $0x1  }
0x96: {  	s17 =	simm.s32 $_scs_section_size  }
0x97: {  	s2 =	simm.s32 $_size__tile_overlayer_lowered;
	s3 =	simm.s32 $_tile_overlayer_lowered  }
0x98: {  	s20 =	simm.s32 $0x1BFF;
	s19 =	sshll.u32 s3, $0x1;
	s0 =	sadd.s32 s17, s16  }
0x99: {  	s4 =	simm.s32 $0x0;
	s18 =	sshll.u32 s2, $0x1;
	s2 =	sadd.s32 s19, s0  }
0x9a: {  	[timem:s4], [sflag:s20] =	dma.local [hbm:s2], s18  }
0x9b: {  	_ =	swait.ge [sflag:s20], s18  }
0x9c: {  	s1 =	ssub.s32 $0x0, s18;
	[sflag:s20] =	ssyncset.done $0x0  }
0x9d: {  	[sflag:s20] =	ssyncadd.s32 s1;
	_ =	sdelay $0x1  }
0x9e: {  	s21 =	simm.s32 $0x1B8B  }
0x9f: {  	_ =	swait.ge [sflag:s21], $0x1  }
0xa0: {  	[sflag:s21] =	ssyncset.done $0x0  }
0xa1: {  	s23 =	simm.s32 $0x1B8E;
	s22 =	sld [smem:$0x3FFE];
	[sflag:s21] =	ssyncadd.s32 $0xFFFFFFFF  }
0xa2: {  	s24 =	simm.s32 $execute0_lowered;
	[smem:$0x3FD2] =	sst s23  }
0xa3: {  	s2 =	sshll.u32 s24, $0x1;
	_ =	strace $0x80000046;
	[dreg:$0x1] =	wrdreg $0xFFFFFFFF  }
0xa4: {  	s25 =	simm.s32 $_size_execute0_lowered;
	s0 =	sadd.s32 s0, s2;
	[dreg:$0x0] =	wrdreg $0x0  }
0xa5: {  	s2 =	sshll.u32 s25, $0x1;
	[dreg:$0x2] =	wrdreg s0  }
0xa6: {  	[dreg:$0x3] =	wrdreg s2  }
0xa7: {  	[dreg:$0x4] =	wrdreg $0xC0  }
0xa8: {  	_ =	task [dreg:s4], $0x5FFFF  }
0xa9: {  	[dreg:$0x1] =	wrdreg $0xFFFFFFFF  }
0xaa: {  	[dreg:$0x0] =	wrdreg $0x60  }
0xab: {  	[dreg:$0x2] =	wrdreg s22  }
0xac: {  	[dreg:$0x3] =	wrdreg $0x9  }
0xad: {  	_ =	task.clear_ibuf [dreg:s4], $0x4FFFF;
	_ =	strace $0x90000046  }
0xae: {  	s26 =	simm.s32 $0x9;
	_ =	strace $0x80000048  }
0xaf: {  	_ =	swait.ge [sflag:s26], $0x1  }
0xb0: {  	[sflag:s26] =	ssyncadd.s32 $0xFFFFFFFF  }
0xb1: {  	_ =	strace $0x90000048  }
0xb2: {  	_ =	sfence  }
0xb3: {  	s28 =	sld [smem:$0x0];
	_ =	sdelay $0x1  }
0xb4: {  	s29 =	srdreg.scid  }
0xb5: {  	s30 =	sshll.u32 s29, $0xD;
	s31 =	sshrl.u32 s29, $0x2  }
0xb6: {  	s1 =	sand.u32 $0x1, s29;
	s2 =	sand.u32 $0x4000, s30;
	s0 =	sadd.s32 s31, s28  }
0xb7: {  	s1 =	sor.u32 s2, s1;
	s0 =	sshll.u32 s0, $0x11  }
0xb8: {  	s0 =	sor.u32 s0, s1  }
0xb9: {  	s0 =	sadd.s32 $0x8F2B, s0  }
0xba: {  	[sflag:s0] =	ssyncadd.remote.s32 $0x1  }
0xbb: {  	_ =	sfence.sel $0xFFFF  }
0xbc: {  	[dreg:$0x0] =	wrdreg $0xFFFFFFFF;
	(pc) =	sbr.abs _section_cstart, $3  }
0xbd: {  	[dreg:$0x1] =	wrdreg $0xFFFFFFFF  }
0xbe: {  	_ =	task.clear_ibuf [dreg:s4], $0x2FFFF;
	_ =	strace $0x9FFFFFFF  }
0xbf: {  	(tm) =	ssettm $0x7FFFFFFF  }
tec
execute0_lowered:
.L_overlay_start_1:
0x0: {  	(tag) =	ssettag $0x1  }
0x1: {  	s0 =	stileid.u32  }
0x2: {  	s1 =	smin.u32 s0, $0x9  }
0x3: {  	s1 =	sadd.s32 s0, s1  }
0x4: {  	p0 =	slt.u32 s0, $0x9;
	s2 =	smul.u32 $0x50, s1;
	s1 =	simm.s32 $0xA0  }
0x5: {  	s1 =	simm.s32 @!p0 $0x50  }
0x6: {  	s1 =	sadd.s32 s1, s2  }
0x7: {  	s3 =	smin.u32 s1, $0x7D0  }
0x8: {  	s7 =	ssub.s32 s3, s2  }
0x9: {  	p0 =	sgt.s32 s7, $0x0  }
0xa: {  	s7 =	simm.s32 @!p0 $0x0  }
0xb: {  	s31 =	smul.u32 $0xCCCD, s7  }
0xc: {  	s4 =	rddreg [dreg:$0x0];
	s6 =	simm.s32 $0x1  }
0xd: {  	s10 =	simm.s32 $0x3;
	s13 =	simm.s32 $0x0;
	s8 =	sshrl.u32 s31, $0x16  }
0xe: {  	s12 =	simm.s32 $0x0;
	s5 =	sadd.s32 $0x200, s4;
	s9 =	smul.u32 $0x50, s8  }
.Ltmp0:
0xf: {  	s11 =	smov.u32 s2;
	s1 =	rddreg [dreg:$0x1];
	(pc) =	sbr.rel .LBB2_1-.Ltmp0, $4  }
0x10: {  	_ =	strace $0x80000047;
	p0 =	sne.s32 s7, s9;
	s9 =	simm.s32 $0x1  }
0x11: {  	[sflag:s6] =	ssyncpa.u1 $0x0;
	s7 =	simm.s32 $0x2;
	s9 =	simm.s32 @!p0 $0x0  }
0x12: {  	[sflag:s7] =	ssyncpa.u1 $0x0;
	p0 =	por $0x0, $0x0;
	s8 =	sadd.s32 s8, s9  }
0x13: {  	v0 =	vimm.s32 $0x0;
	vm0 =	vmmov $0xff;
	vm1 =	vcmask $0x3F20;
	s9 =	sadd.s32 $0x4E400, s4;
	[sflag:s10] =	ssyncpa.u1 $0x0;
	s10 =	sadd.s32 $0x1, s8  }
.LBB2_6:
0x14: {  	[hbm:s17] =	stream.linear.scatter [tilespmem:s14], [sflag:$0x3], $0x400, $0x38;
	[tilespmem:$0x50A0] =	vst v63  }
.LBB2_7:
0x15: {  	s13 =	sadd.s32 $0x50, s11  }
0x16: {  	s15 =	smov.u32 s2;
	p2 =	slt.s32 s13, s3  }
0x17: {  	s15 =	smov.u32 @p2 s13;
	p2 =	sne.s32 s12, s10  }
.Ltmp1:
0x18: {  	p1 =	slt.u32 s12, $0x2;
	(pc) =	sbr.rel @!p2 .LBB2_8-.Ltmp1, $4  }
0x19: {  	s14 =	simm.s32 @!p1 $0x3  }
0x1a: {  	s16 =	sadd.s32 $0x1, s12;
	_ =	swait.ge @!p1 [sflag:s14], $0x2800  }
0x1b: {  	p0 =	por !p0, !p0;
	s13 =	smov.u32 s11;
	[sflag:s14] =	ssyncset.done @!p1 $0x0  }
0x1c: {  	s12 =	smov.u32 s16;
	s11 =	smov.u32 s15;
	[sflag:s14] =	ssyncadd.s32 @!p1 $0xFFFFD800  }
.LBB2_1:
0x1d: {  	p1 =	sge.u32 s12, s8  }
0x1e: {  	s14 =	sxor.u32 @!p1 $0xFFFFFFFF, s12  }
0x1f: {  	s14 =	sand.u32 @!p1 $0x1, s14  }
0x20: {  	s14 =	smul.u32 @!p1 $0x140, s14  }
0x21: {  	s31 =	sadd.s32 $0xFFFFFFFF, s12;
	s15 =	sshrl.u32 @!p1 s11, $0x3  }
0x22: {  	s16 =	sand.u32 @!p1 $0x7, s11;
	s15 =	sadd.s32 @!p1 s4, s15;
	s14 =	sshrl.u32 @!p1 s14, $0x2  }
0x23: {  	[tilespmem:s14], [sflag:$0x2] =	stream.linear.gather @!p1 [hbm4b:s15+s16], $0x50, $0x38;
	[tilespmem:$0x50A0] =	vst v63  }
0x24: {  	p1 =	sge.u32 s31, s8  }
.Ltmp2:
0x25: {  	_ = 	snop;
	(pc) =	sbr.rel @p1 .LBB2_7-.Ltmp2, $1  }
0x26: {  	_ =	sdelay $0x3  }
0x27: {  	s14 =	simm.s32 $0x1  }
0x28: {  	s14 =	simm.s32 @!p0 $0x0  }
0x29: {  	s15 =	smul.u32 $0x140, s14  }
0x2a: {  	_ =	swait.ge [sflag:s7], $0x50  }
0x2b: {  	[sflag:s7] =	ssyncset.done $0x0;
	s16 =	sshrl.u32 s15, $0x2  }
0x2c: {  	[sflag:s7] =	ssyncadd.s32 $0xFFFFFFB0;
	s15 =	sadd.s32 $0x0, s16  }
0x2d: {  	v1 =	vld.msk [tilespmem:s15+$0x0 ss:$0x1], $0xffff;
	_ =	sdelay $0x4  }
0x2e: {  	v2 =	vand.u32 $0x1, v1;
	v3 =	vshll.u32 v1, $0x6  }
0x2f: {  	vm2 =	veq.s32 v1, $0x80000000;
	vm3 =	veq.s32 v2, $0x1;
	v1 =	vand.u32 $0x1FFF80, v3  }
0x30: {  	v2 =	vsel vm3, $0x138800, v0;
	v1 =	vsel vm2, $0xFFFFFF80, v1  }
0x31: {  	v2 =	vsel vm2, $0xFFEC7800, v2;
	v3 =	vand.u32 $0xFFFFFC00, v1  }
0x32: {  	v1 =	vand.u32 $0x380, v1;
	v2 =	vadd.s32 v2, v3  }
0x33: {  	v1 =	vor.u32 v1, v2  }
0x34: {  	v1 =	vshrl.u32 v1, $0x3  }
0x35: {  	s14 =	smul.u32 $0xA000, s14;
	_ =	sdelay $0x1  }
0x36: {  	s14 =	sshrl.u32 s14, $0x2  }
0x37: {  	s14 =	sor.u32 $0xA0, s14  }
0x38: {  	[tilespmem:s14], [sflag:$0x1] =	stream.indirect_vreg.gather [hbm:s5], $0x80, v1, vm0, $0x38;
	[tilespmem:$0x50A0] =	vst v63  }
0x39: {  	s17 =	sadd.s32 $0x10, s16;
	s15 =	sadd.s32 $0x400, s14  }
0x3a: {  	[tilespmem:s15], [sflag:$0x1] =	stream.indirect_vreg.gather [hbm:s5], $0x80, v1, vm1, $0x38;
	[tilespmem:$0x50A0] =	vst v63  }
0x3b: {  	s18 =	simm.s32 $0x80;
	v1 =	vld.msk [tilespmem:s17+$0x0 ss:$0x1], $0xffff;
	s17 =	smov.u32 s14  }
.LBB2_3:
0x3c: {  	p1 =	sne.s32 s18, $0x100;
	_ =	sdelay $0x4  }
0x3d: {  	v2 =	vand.u32 $0x1, v1;
	v3 =	vshll.u32 v1, $0x6  }
0x3e: {  	vm2 =	veq.s32 v1, $0x80000000;
	vm3 =	veq.s32 v2, $0x1;
	v1 =	vand.u32 $0x1FFF80, v3  }
0x3f: {  	v2 =	vsel vm3, $0x138800, v0;
	v1 =	vsel vm2, $0xFFFFFF80, v1  }
0x40: {  	v2 =	vsel vm2, $0xFFEC7800, v2;
	v3 =	vand.u32 $0xFFFFFC00, v1  }
0x41: {  	v1 =	vand.u32 $0x380, v1;
	v2 =	vadd.s32 v2, v3  }
0x42: {  	v1 =	vor.u32 v1, v2  }
0x43: {  	v1 =	vshrl.u32 v1, $0x3;
	_ =	sdelay $0x3  }
.Ltmp3:
0x44: {  	s19 =	sshra.s32 s18, $0x2;
	s17 =	sadd.s32 $0x800, s17;
	(pc) =	sbr.rel @p1 .LBB2_3-.Ltmp3, $4  }
0x45: {  	[tilespmem:s17], [sflag:$0x1] =	stream.indirect_vreg.gather [hbm:s5], $0x80, v1, vm0, $0x38;
	[tilespmem:$0x50A0] =	vst v63  }
0x46: {  	s19 =	sadd.s32 s19, s16;
	s20 =	sadd.s32 $0x400, s17  }
0x47: {  	[tilespmem:s20], [sflag:$0x1] =	stream.indirect_vreg.gather [hbm:s5], $0x80, v1, vm1, $0x38;
	[tilespmem:$0x50A0] =	vst v63  }
0x48: {  	s18 =	sadd.s32 $0x40, s18;
	v1 =	vld.msk [tilespmem:s19+$0x0 ss:$0x1], $0xffff  }
0x49: {  	_ =	sdelay $0x3  }
0x4a: {  	v2 =	vand.u32 $0x1, v1;
	v3 =	vshll.u32 v1, $0x6  }
0x4b: {  	vm2 =	veq.s32 v1, $0x80000000;
	vm3 =	veq.s32 v2, $0x1;
	v1 =	vand.u32 $0x1FFF80, v3  }
0x4c: {  	v2 =	vsel vm3, $0x138800, v0;
	v1 =	vsel vm2, $0xFFFFFF80, v1  }
0x4d: {  	v2 =	vsel vm2, $0xFFEC7800, v2;
	v3 =	vand.u32 $0xFFFFFC00, v1  }
0x4e: {  	v1 =	vand.u32 $0x380, v1;
	v2 =	vadd.s32 v2, v3  }
0x4f: {  	v1 =	vor.u32 v1, v2  }
0x50: {  	v1 =	vshrl.u32 v1, $0x3;
	_ =	sdelay $0x3  }
0x51: {  	s16 =	sadd.s32 $0x800, s17  }
0x52: {  	[tilespmem:s16], [sflag:$0x1] =	stream.indirect_vreg.gather [hbm:s5], $0x80, v1, vm0, $0x38;
	[tilespmem:$0x50A0] =	vst v63  }
0x53: {  	s16 =	sadd.s32 $0x400, s16  }
0x54: {  	[tilespmem:s16], [sflag:$0x1] =	stream.indirect_vreg.gather [hbm:s5], $0x80, v1, vm1, $0x38;
	[tilespmem:$0x50A0] =	vst v63  }
0x55: {  	s13 =	sshll.u32 s13, $0x4;
	_ =	swait.ge [sflag:s6], $0x2800  }
0x56: {  	s13 =	sadd.s32 s13, s9;
	[sflag:s6] =	ssyncset.done $0x0  }
0x57: {  	s17 =	sadd.s32 $0x0, s13;
	s16 =	simm.s32 $0x80;
	[sflag:s6] =	ssyncadd.s32 $0xFFFFD800  }
.LBB2_5:
0x58: {  	[hbm:s17] =	stream.linear.scatter [tilespmem:s14], [sflag:$0x3], $0x400, $0x38;
	[tilespmem:$0x50A0] =	vst v63  }
0x59: {  	s17 =	smov.u32 s16;
	s14 =	smov.u32 s15;
	p1 =	sne.s32 s16, $0x480  }
.Ltmp4:
0x5a: {  	s16 =	sadd.s32 $0x80, s16;
	(pc) =	sbr.rel @p1 .LBB2_5-.Ltmp4, $2  }
0x5b: {  	_ =	sdelay $0x2  }
0x5c: {  	s15 =	sadd.s32 $0x400, s15;
	s17 =	sadd.s32 s17, s13  }
.Ltmp5:
0x5d: {  	_ = 	snop;
	(pc) =	sbr.rel .LBB2_6-.Ltmp5, $1  }
0x5e: {  	_ =	sdelay $0x3  }
.LBB2_8:
0x5f: {  	_ =	sfence.sel $0x180000  }
0x60: {  	s2 =	simm.s32 $0x2;
	[bflag:$0x0] =	sbarrier.arrive $0xFFFF  }
0x61: {  	s30 =	simm.s32 $0x3;
	[sflag:s2] =	ssyncpa.u1 $0x1  }
0x62: {  	s31 =	simm.s32 $0x1;
	[sflag:s30] =	ssyncpa.u1 $0x1  }
0x63: {  	[sflag:s31] =	ssyncpa.u1 $0x1  }
0x64: {  	p0 =	sne.s32 s0, $0x0;
	_ =	strace $0x90000047  }
0x65: {  	s0 =	sadd.s32 @!p0 $0x100000, s1;
	[bflag:$0x2] =	sbarrier.arrive $0xFFFF  }
0x66: {  	[sflag:s0] =	ssyncadd.tile.s32 @!p0 $0x1;
	_ =	shalt  }
.Lfunc_end2:
_tile_overlayer_lowered:
.L_overlay_start_2:
0x67: {  	(tag) =	ssettag $0x2  }
0x68: {  	s0 =	rddreg [dreg:$0x0];
	s2 =	stileid.u32  }
0x69: {  	s1 =	rddreg [dreg:$0x1];
	p0 =	sne.s32 s2, $0x0  }
0x6a: {  	s3 =	rddreg [dreg:$0x2];
	[bflag:$0x3] =	sbarrier.arrive $0xFFFF;
	s2 =	simm.s32 @!p0 $0x1C01  }
0x6b: {  	[timem:s3], [sflag:s2] =	dma.local @!p0 [hbm:s0], s1  }
0x6c: {  	s0 =	simm.s32 @!p0 $0x1  }
0x6d: {  	_ =	swait.ge @!p0 [sflag:s0], s1  }
0x6e: {  	s1 =	ssub.s32 @!p0 $0x0, s1;
	[sflag:s0] =	ssyncset.done @!p0 $0x0  }
0x6f: {  	[sflag:s0] =	ssyncadd.s32 @!p0 s1  }
0x70: {  	[bflag:$0x3] =	sbarrier.arrive $0xFFFF  }
0x71: {  	_ =	shalt  }

</sc_bundles>
